<compile_context>
chip_gen: v7x
topology: tpu7x:2x2x1
jax: 0.10.2.dev20260603
libtpu: 0.0.44.dev20260713+nightly
codegen_flags: <defaults>
</compile_context>

<pallas_src>
import functools

import jax
import jax.numpy as jnp
from jax import lax
from jax.experimental import pallas as pl
from jax.experimental.pallas import tpu as pltpu
from jax.experimental.pallas import tpu_sc as plsc

B = 4096
VOCAB = 100000
EMB = 64
NUM_CAT = 26
NUM_INT = 13
NF = NUM_CAT + 1

N_ROWS = B * NUM_CAT
NW = 32
ROWS_PER_W = N_ROWS // NW
CHUNK = 1664
NCHUNK = ROWS_PER_W // CHUNK


def _gather_body(table_hbm, idx_hbm, out_hbm, idx_v, rows_v, sem):
    wid = lax.axis_index("s") * 2 + lax.axis_index("c")
    base = wid * ROWS_PER_W

    def step(j, _):
        off = base + j * CHUNK
        pltpu.sync_copy(idx_hbm.at[pl.ds(off, CHUNK)], idx_v)
        pltpu.async_copy(table_hbm.at[idx_v], rows_v, sem).wait()
        pltpu.sync_copy(rows_v, out_hbm.at[pl.ds(off, CHUNK)])
        return 0

    lax.fori_loop(0, NCHUNK, step, 0)


@functools.cache
def _sc_gather():
    return pl.kernel(
        _gather_body,
        out_type=jax.ShapeDtypeStruct((N_ROWS, EMB), jnp.float32),
        mesh=plsc.VectorSubcoreMesh(core_axis_name="c", subcore_axis_name="s",
                                    num_cores=2, num_subcores=16),
        scratch_types=[
            pltpu.VMEM((CHUNK,), jnp.int32),
            pltpu.VMEM((CHUNK, EMB), jnp.float32),
            pltpu.SemaphoreType.DMA,
        ],
        compiler_params=pltpu.CompilerParams(use_tc_tiling_on_sc=False),
    )


BLK = 512


def _bmlp_body(int_ref, bW0, bb0, bW1, bb1, bW2, bb2, out_ref):
    x = int_ref[...]
    h = jnp.maximum(x @ bW0[...] + bb0[...], 0.0)
    h = jnp.maximum(h @ bW1[...] + bb1[...], 0.0)
    out_ref[...] = jnp.maximum(h @ bW2[...] + bb2[...], 0.0)


def _dense_body(cat_ref, bm_ref, tW0, tb0, tW1, tb1, tW2, tb2, out_ref):
    bm = bm_ref[...]
    conc = jnp.concatenate([cat_ref[...], bm[:, None, :]], axis=1)

    z3 = lax.dot_general(conc, conc, (((2,), (2,)), ((0,), (0,))),
                         preferred_element_type=jnp.float32)
    irow = lax.broadcasted_iota(jnp.int32, (BLK, NF, NF), 1)
    kcol = lax.broadcasted_iota(jnp.int32, (BLK, NF, NF), 2)
    z3 = jnp.where(kcol < irow, z3, 0.0)
    interaction = z3.reshape(BLK, NF * NF)

    tin = jnp.concatenate([interaction, bm], axis=1)
    h = jnp.maximum(tin @ tW0[...] + tb0[...], 0.0)
    h = jnp.maximum(h @ tW1[...] + tb1[...], 0.0)
    o = h @ tW2[...] + tb2[...]
    out_ref[...] = 1.0 / (1.0 + jnp.exp(-o))


def _full(shape):
    return pl.BlockSpec(shape, lambda i: tuple(0 for _ in shape))


_bmlp = pl.pallas_call(
    _bmlp_body,
    grid=(1,),
    in_specs=[
        pl.BlockSpec((B, NUM_INT), lambda i: (0, 0)),
        _full((NUM_INT, 512)), _full((1, 512)),
        _full((512, 256)), _full((1, 256)),
        _full((256, EMB)), _full((1, EMB)),
    ],
    out_specs=pl.BlockSpec((B, EMB), lambda i: (0, 0)),
    out_shape=jax.ShapeDtypeStruct((B, EMB), jnp.float32),
)

_dense = pl.pallas_call(
    _dense_body,
    grid=(B // BLK,),
    in_specs=[
        pl.BlockSpec((BLK, NUM_CAT, EMB), lambda i: (i, 0, 0)),
        pl.BlockSpec((BLK, EMB), lambda i: (i, 0)),
        _full((NF * NF + EMB, 512)), _full((1, 512)),
        _full((512, 256)), _full((1, 256)),
        _full((256, 1)), _full((1, 1)),
    ],
    out_specs=pl.BlockSpec((BLK, 1), lambda i: (i, 0)),
    out_shape=jax.ShapeDtypeStruct((B, 1), jnp.float32),
)


def kernel(cat_features, int_features, emb_table,
           bW0, bb0, bW1, bb1, bW2, bb2,
           tW0, tb0, tW1, tb1, tW2, tb2):
    idx = cat_features.reshape(-1).astype(jnp.int32)
    rows = _sc_gather()(emb_table, idx)
    cat_emb = rows.reshape(B, NUM_CAT, EMB)
    bm = _bmlp(int_features,
               bW0, bb0[None, :], bW1, bb1[None, :], bW2, bb2[None, :])
    out = _dense(cat_emb, bm,
                 tW0, tb0[None, :], tW1, tb1[None, :], tW2, tb2[None, :])
    return out[:, 0]

# --- scband reference (transcript-rebuilt; emitter-appended) ---
"""Pipeline reference for scband-dlrm-42185168781624 (READ-ONLY COPY).

The authoritative reference and input builder live on the scoring server;
editing this copy changes nothing except your own understanding.
"""

import jax, jax.numpy as jnp
import numpy as np

B = 4096
VOCAB = 100000
EMB = 64
NUM_CAT = 26
NUM_INT = 13
NF = NUM_CAT + 1  # 27


def setup_inputs(seed: int = 0) -> dict:
    key = jax.random.key(seed)
    ks = jax.random.split(key, 16)
    cat_features = jax.random.randint(ks[0], (B, NUM_CAT), 0, VOCAB)
    int_features = jax.random.normal(ks[1], (B, NUM_INT), dtype=jnp.float32)
    emb_table = jax.random.normal(ks[2], (VOCAB, EMB), dtype=jnp.float32) * 0.01
    # bottom MLP: 13 -> 512 -> 256 -> 64 (final relu)
    bW0 = jax.random.normal(ks[3], (NUM_INT, 512), dtype=jnp.float32) * (1.0 / np.sqrt(NUM_INT))
    bb0 = jnp.zeros((512,), dtype=jnp.float32)
    bW1 = jax.random.normal(ks[4], (512, 256), dtype=jnp.float32) * (1.0 / np.sqrt(512))
    bb1 = jnp.zeros((256,), dtype=jnp.float32)
    bW2 = jax.random.normal(ks[5], (256, EMB), dtype=jnp.float32) * (1.0 / np.sqrt(256))
    bb2 = jnp.zeros((EMB,), dtype=jnp.float32)
    # top MLP: (27*27 + 64)=793 -> 512 -> 256 -> 1 (final sigmoid)
    tin = NF * NF + EMB
    tW0 = jax.random.normal(ks[6], (tin, 512), dtype=jnp.float32) * (1.0 / np.sqrt(tin))
    tb0 = jnp.zeros((512,), dtype=jnp.float32)
    tW1 = jax.random.normal(ks[7], (512, 256), dtype=jnp.float32) * (1.0 / np.sqrt(512))
    tb1 = jnp.zeros((256,), dtype=jnp.float32)
    tW2 = jax.random.normal(ks[8], (256, 1), dtype=jnp.float32) * (1.0 / np.sqrt(256))
    tb2 = jnp.zeros((1,), dtype=jnp.float32)
    return {
        "cat_features": cat_features, "int_features": int_features,
        "emb_table": emb_table,
        "bW0": bW0, "bb0": bb0, "bW1": bW1, "bb1": bb1, "bW2": bW2, "bb2": bb2,
        "tW0": tW0, "tb0": tb0, "tW1": tW1, "tb1": tb1, "tW2": tW2, "tb2": tb2,
    }


def reference(cat_features, int_features, emb_table,
              bW0, bb0, bW1, bb1, bW2, bb2,
              tW0, tb0, tW1, tb1, tW2, tb2):
    # embedding lookup (SparseCore gather)
    cat_embedding = jnp.take(emb_table, cat_features, axis=0)  # [B, 26, 64]
    # bottom MLP with final relu
    h = jax.nn.relu(int_features @ bW0 + bb0)
    h = jax.nn.relu(h @ bW1 + bb1)
    bmlp_activation = jax.nn.relu(h @ bW2 + bb2)  # [B, 64]
    # concat embeddings + dense projection
    concat_feature = jnp.concatenate([cat_embedding, bmlp_activation[:, None, :]], axis=1)  # [B, 27, 64]
    # DotInteraction(self_interaction=False, skip_gather=True):
    # full pairwise dot matrix, keep strictly-lower-triangular entries, zero-pad the rest
    Z = jnp.einsum('bij,bkj->bik', concat_feature, concat_feature)  # [B, 27, 27]
    mask = jnp.tril(jnp.ones((NF, NF), dtype=Z.dtype), -1)
    interaction = (Z * mask).reshape(Z.shape[0], NF * NF)  # [B, 729]
    tmlp_input = jnp.concatenate([interaction, bmlp_activation], axis=1)  # [B, 793]
    h = jax.nn.relu(tmlp_input @ tW0 + tb0)
    h = jax.nn.relu(h @ tW1 + tb1)
    output = jax.nn.sigmoid(h @ tW2 + tb2)  # [B, 1]
    return jnp.squeeze(output, 1)  # [B]

if __name__ == "__main__":
    import jax
    _d = setup_inputs()
    print(jax.jit(kernel)(*tuple(_d.values())))

</pallas_src>

<mosaic_0001>
#map = affine_map<(d0, d1) -> (0, 0)>
#map1 = affine_map<(d0, d1) -> (0)>
module attributes {stable_mosaic.version = 14 : i64} {
  func.func @_gather_body(%arg0: i32, %arg1: i32, %arg2: memref<100000x64xf32, #tpu.memory_space<hbm>>, %arg3: memref<106496xi32, #tpu.memory_space<hbm>>, %arg4: memref<106496x64xf32, #tpu.memory_space<hbm>>, %arg5: memref<1664xi32, #tpu.memory_space<vmem>>, %arg6: memref<1664x64xf32, #tpu.memory_space<vmem>>, %arg7: memref<!tpu.dma_semaphore, #tpu.memory_space<semaphore_mem>>) attributes {dimension_semantics = [#tpu.dimension_semantics<core_parallel>, #tpu.dimension_semantics<subcore_parallel>], iteration_bounds = array<i64: 2, 16>, scalar_prefetch = 0 : i64, scratch_operands = 3 : i64, tpu.core_type = #tpu.core_type<sc_vector_subcore>, window_params = [{transform_indices = #map}, {transform_indices = #map1}, {transform_indices = #map}]} {
    %mul3A = arith.constant 2 : i32
    %mul3A_0 = arith.muli %arg1, %mul3A : i32
    %add3A = arith.addi %mul3A_0, %arg0 : i32
    %mul3A_1 = arith.constant 3328 : i32
    %mul3A_2 = arith.muli %add3A, %mul3A_1 : i32
    %scan3A = arith.constant 0 : i32
    %scan3A_3 = arith.constant 0 : i32
    %scan3A_4 = arith.constant 2 : i32
    %scan3A_5 = arith.addi %scan3A_3, %scan3A_4 : i32
    %scan3A_6 = arith.constant 1 : i32
    %scan3A_7 = scf.for %scan3A_9 = %scan3A_3 to %scan3A_5 step %scan3A_6 iter_args(%scan3A_10 = %scan3A) -> (i32)  : i32 {
      %mul3A_11 = arith.constant 1664 : i32
      %mul3A_12 = arith.muli %scan3A_9, %mul3A_11 : i32
      %add3A_13 = arith.addi %mul3A_2, %mul3A_12 : i32
      "tpu.region"() ({
        %run_scoped3A = tpu.sem_alloc : memref<!tpu.dma_semaphore, #tpu.memory_space<semaphore_mem>>
        %dma_start3A_19 = tpu.memref_slice %arg3[%add3A_13] : memref<106496xi32, #tpu.memory_space<hbm>> -> memref<1664xi32, #tpu.memory_space<hbm>>
        %dma_start3A_20 = tpu.memref_slice %arg3[%add3A_13] : memref<106496xi32, #tpu.memory_space<hbm>> -> memref<1664xi32, #tpu.memory_space<hbm>>
        tpu.enqueue_dma source(%dma_start3A_20 : memref<1664xi32, #tpu.memory_space<hbm>>) target(%arg5 : memref<1664xi32, #tpu.memory_space<vmem>>) target_semaphore(%run_scoped3A : memref<!tpu.dma_semaphore, #tpu.memory_space<semaphore_mem>>)
        %dma_wait3A_21 = tpu.memref_slice %arg3[%add3A_13] : memref<106496xi32, #tpu.memory_space<hbm>> -> memref<1664xi32, #tpu.memory_space<hbm>>
        %dma_wait3A_22 = tpu.memref_slice %arg3[%add3A_13] : memref<106496xi32, #tpu.memory_space<hbm>> -> memref<1664xi32, #tpu.memory_space<hbm>>
        tpu.wait_dma2 semaphore(%run_scoped3A : memref<!tpu.dma_semaphore, #tpu.memory_space<semaphore_mem>>) src(%dma_wait3A_22 : memref<1664xi32, #tpu.memory_space<hbm>>) dst(%arg5 : memref<1664xi32, #tpu.memory_space<vmem>>)
        tpu.yield
      }) : () -> ()
      %dma_start3A = arith.constant 0 : i32
      %dma_start3A_14 = arith.constant 0 : i32
      %dma_start3A_15 = tpu.memref_slice %arg2[%dma_start3A, %dma_start3A_14] : memref<100000x64xf32, #tpu.memory_space<hbm>> -> memref<100000x64xf32, #tpu.memory_space<hbm>>
      tpu.enqueue_indirect_dma source(%dma_start3A_15 : memref<100000x64xf32, #tpu.memory_space<hbm>>) target(%arg6 : memref<1664x64xf32, #tpu.memory_space<vmem>>) offsets(%arg5 : memref<1664xi32, #tpu.memory_space<vmem>>) semaphore(%arg7 : memref<!tpu.dma_semaphore, #tpu.memory_space<semaphore_mem>>)
      %dma_wait3A = arith.constant 0 : i32
      %dma_wait3A_16 = arith.constant 0 : i32
      %dma_wait3A_17 = tpu.memref_slice %arg2[%dma_wait3A, %dma_wait3A_16] : memref<100000x64xf32, #tpu.memory_space<hbm>> -> memref<100000x64xf32, #tpu.memory_space<hbm>>
      tpu.wait_indirect_dma semaphore(%arg7 : memref<!tpu.dma_semaphore, #tpu.memory_space<semaphore_mem>>) src(%dma_wait3A_17 : memref<100000x64xf32, #tpu.memory_space<hbm>>) dst(%arg6 : memref<1664x64xf32, #tpu.memory_space<vmem>>)
      "tpu.region"() ({
        %run_scoped3A = tpu.sem_alloc : memref<!tpu.dma_semaphore, #tpu.memory_space<semaphore_mem>>
        %dma_start3A_19 = arith.constant 0 : i32
        %dma_start3A_20 = tpu.memref_slice %arg4[%add3A_13, %dma_start3A_19] : memref<106496x64xf32, #tpu.memory_space<hbm>> -> memref<1664x64xf32, #tpu.memory_space<hbm>>
        %dma_start3A_21 = arith.constant 0 : i32
        %dma_start3A_22 = tpu.memref_slice %arg4[%add3A_13, %dma_start3A_21] : memref<106496x64xf32, #tpu.memory_space<hbm>> -> memref<1664x64xf32, #tpu.memory_space<hbm>>
        tpu.enqueue_dma source(%arg6 : memref<1664x64xf32, #tpu.memory_space<vmem>>) target(%dma_start3A_22 : memref<1664x64xf32, #tpu.memory_space<hbm>>) target_semaphore(%run_scoped3A : memref<!tpu.dma_semaphore, #tpu.memory_space<semaphore_mem>>)
        %dma_wait3A_23 = arith.constant 0 : i32
        %dma_wait3A_24 = tpu.memref_slice %arg4[%add3A_13, %dma_wait3A_23] : memref<106496x64xf32, #tpu.memory_space<hbm>> -> memref<1664x64xf32, #tpu.memory_space<hbm>>
        %dma_wait3A_25 = arith.constant 0 : i32
        %dma_wait3A_26 = tpu.memref_slice %arg4[%add3A_13, %dma_wait3A_25] : memref<106496x64xf32, #tpu.memory_space<hbm>> -> memref<1664x64xf32, #tpu.memory_space<hbm>>
        tpu.wait_dma2 semaphore(%run_scoped3A : memref<!tpu.dma_semaphore, #tpu.memory_space<semaphore_mem>>) src(%arg6 : memref<1664x64xf32, #tpu.memory_space<vmem>>) dst(%dma_wait3A_26 : memref<1664x64xf32, #tpu.memory_space<hbm>>)
        tpu.yield
      }) : () -> ()
      %scan3A_18 = arith.constant 0 : i32
      scf.yield %scan3A_18 : i32
    }
    %scan3A_8 = arith.constant 2 : i32
    return
  }
}

module attributes {stable_mosaic.version = 14 : i64} {
  func.func @_bmlp_body(%arg0: i32, %arg1: memref<4096x13xf32, #tpu.memory_space<vmem>>, %arg2: memref<13x512xf32, #tpu.memory_space<vmem>>, %arg3: memref<1x512xf32, #tpu.memory_space<vmem>>, %arg4: memref<512x256xf32, #tpu.memory_space<vmem>>, %arg5: memref<1x256xf32, #tpu.memory_space<vmem>>, %arg6: memref<256x64xf32, #tpu.memory_space<vmem>>, %arg7: memref<1x64xf32, #tpu.memory_space<vmem>>, %arg8: memref<4096x64xf32, #tpu.memory_space<vmem>>) attributes {dimension_semantics = [#tpu.dimension_semantics<arbitrary>], iteration_bounds = array<i64: 1>, scalar_prefetch = 0 : i64, scratch_operands = 0 : i64, tpu.core_type = #tpu.core_type<tc>, window_params = [{pipeline_mode = #tpu.pipeline_mode<synchronous>, transform_indices = @transform_0, window_bounds = array<i64: 4096, 13>}, {pipeline_mode = #tpu.pipeline_mode<synchronous>, transform_indices = @transform_1, window_bounds = array<i64: 13, 512>}, {pipeline_mode = #tpu.pipeline_mode<synchronous>, transform_indices = @transform_2, window_bounds = array<i64: 1, 512>}, {pipeline_mode = #tpu.pipeline_mode<synchronous>, transform_indices = @transform_3, window_bounds = array<i64: 512, 256>}, {pipeline_mode = #tpu.pipeline_mode<synchronous>, transform_indices = @transform_4, window_bounds = array<i64: 1, 256>}, {pipeline_mode = #tpu.pipeline_mode<synchronous>, transform_indices = @transform_5, window_bounds = array<i64: 256, 64>}, {pipeline_mode = #tpu.pipeline_mode<synchronous>, transform_indices = @transform_6, window_bounds = array<i64: 1, 64>}, {pipeline_mode = #tpu.pipeline_mode<synchronous>, transform_indices = @transform_7, window_bounds = array<i64: 4096, 64>}]} {
    %get3A = arith.constant 0 : index
    %get3A_0 = arith.constant 0 : index
    %get3A_1 = vector.load %arg1[%get3A, %get3A_0] : memref<4096x13xf32, #tpu.memory_space<vmem>>, vector<4096x13xf32>
    %get3A_2 = arith.constant 0 : index
    %get3A_3 = arith.constant 0 : index
    %get3A_4 = vector.load %arg2[%get3A_2, %get3A_3] : memref<13x512xf32, #tpu.memory_space<vmem>>, vector<13x512xf32>
    %dot_general3A = arith.constant dense<0.000000e+00> : vector<4096x512xf32>
    %dot_general3A_5 = tpu.matmul %get3A_1, %get3A_4, %dot_general3A {dimension_numbers = #tpu.dot_dimension_numbers<[1], [0], [0], [1], [0, 0, 1, 1], [], []>, transpose_lhs_hint = false} : vector<4096x13xf32>, vector<13x512xf32>, vector<4096x512xf32> -> vector<4096x512xf32>
    %get3A_6 = arith.constant 0 : index
    %get3A_7 = arith.constant 0 : index
    %get3A_8 = vector.load %arg3[%get3A_6, %get3A_7] : memref<1x512xf32, #tpu.memory_space<vmem>>, vector<1x512xf32>
    %add3A = vector.broadcast %get3A_8 : vector<1x512xf32> to vector<4096x512xf32>
    %add3A_9 = arith.addf %dot_general3A_5, %add3A : vector<4096x512xf32>
    %max3A = arith.constant 0.000000e+00 : f32
    %max3A_10 = vector.broadcast %max3A : f32 to vector<4096x512xf32>
    %max3A_11 = arith.maximumf %add3A_9, %max3A_10 : vector<4096x512xf32>
    %get3A_12 = arith.constant 0 : index
    %get3A_13 = arith.constant 0 : index
    %get3A_14 = vector.load %arg4[%get3A_12, %get3A_13] : memref<512x256xf32, #tpu.memory_space<vmem>>, vector<512x256xf32>
    %dot_general3A_15 = arith.constant dense<0.000000e+00> : vector<4096x256xf32>
    %dot_general3A_16 = tpu.matmul %max3A_11, %get3A_14, %dot_general3A_15 {dimension_numbers = #tpu.dot_dimension_numbers<[1], [0], [0], [1], [0, 0, 1, 1], [], []>, transpose_lhs_hint = false} : vector<4096x512xf32>, vector<512x256xf32>, vector<4096x256xf32> -> vector<4096x256xf32>
    %get3A_17 = arith.constant 0 : index
    %get3A_18 = arith.constant 0 : index
    %get3A_19 = vector.load %arg5[%get3A_17, %get3A_18] : memref<1x256xf32, #tpu.memory_space<vmem>>, vector<1x256xf32>
    %add3A_20 = vector.broadcast %get3A_19 : vector<1x256xf32> to vector<4096x256xf32>
    %add3A_21 = arith.addf %dot_general3A_16, %add3A_20 : vector<4096x256xf32>
    %max3A_22 = arith.constant 0.000000e+00 : f32
    %max3A_23 = vector.broadcast %max3A_22 : f32 to vector<4096x256xf32>
    %max3A_24 = arith.maximumf %add3A_21, %max3A_23 : vector<4096x256xf32>
    %get3A_25 = arith.constant 0 : index
    %get3A_26 = arith.constant 0 : index
    %get3A_27 = vector.load %arg6[%get3A_25, %get3A_26] : memref<256x64xf32, #tpu.memory_space<vmem>>, vector<256x64xf32>
    %dot_general3A_28 = arith.constant dense<0.000000e+00> : vector<4096x64xf32>
    %dot_general3A_29 = tpu.matmul %max3A_24, %get3A_27, %dot_general3A_28 {dimension_numbers = #tpu.dot_dimension_numbers<[1], [0], [0], [1], [0, 0, 1, 1], [], []>, transpose_lhs_hint = false} : vector<4096x256xf32>, vector<256x64xf32>, vector<4096x64xf32> -> vector<4096x64xf32>
    %get3A_30 = arith.constant 0 : index
    %get3A_31 = arith.constant 0 : index
    %get3A_32 = vector.load %arg7[%get3A_30, %get3A_31] : memref<1x64xf32, #tpu.memory_space<vmem>>, vector<1x64xf32>
    %add3A_33 = vector.broadcast %get3A_32 : vector<1x64xf32> to vector<4096x64xf32>
    %add3A_34 = arith.addf %dot_general3A_29, %add3A_33 : vector<4096x64xf32>
    %max3A_35 = arith.constant 0.000000e+00 : f32
    %max3A_36 = vector.broadcast %max3A_35 : f32 to vector<4096x64xf32>
    %max3A_37 = arith.maximumf %add3A_34, %max3A_36 : vector<4096x64xf32>
    %swap3A = arith.constant 0 : index
    %swap3A_38 = arith.constant 0 : index
    %swap3A_39 = vector.load %arg8[%swap3A, %swap3A_38] : memref<4096x64xf32, #tpu.memory_space<vmem>>, vector<4096x64xf32>
    tpu.vector_store %arg8[%swap3A, %swap3A_38], %max3A_37 {strides = array<i32>} : memref<4096x64xf32, #tpu.memory_space<vmem>>, vector<4096x64xf32>,
    return
  }
  func.func @transform_0(%arg0: i32) -> (i32, i32) {
    %c0_i32 = arith.constant 0 : i32
    %c0_i32_0 = arith.constant 0 : i32
    %c0_i32_1 = arith.constant 0 : i32
    return %c0_i32, %c0_i32_0 : i32, i32
  }
  func.func @transform_1(%arg0: i32) -> (i32, i32) {
    %c0_i32 = arith.constant 0 : i32
    %c0_i32_0 = arith.constant 0 : i32
    %c0_i32_1 = arith.constant 0 : i32
    return %c0_i32, %c0_i32_0 : i32, i32
  }
  func.func @transform_2(%arg0: i32) -> (i32, i32) {
    %c0_i32 = arith.constant 0 : i32
    %c0_i32_0 = arith.constant 0 : i32
    %c0_i32_1 = arith.constant 0 : i32
    return %c0_i32, %c0_i32_0 : i32, i32
  }
  func.func @transform_3(%arg0: i32) -> (i32, i32) {
    %c0_i32 = arith.constant 0 : i32
    %c0_i32_0 = arith.constant 0 : i32
    %c0_i32_1 = arith.constant 0 : i32
    return %c0_i32, %c0_i32_0 : i32, i32
  }
  func.func @transform_4(%arg0: i32) -> (i32, i32) {
    %c0_i32 = arith.constant 0 : i32
    %c0_i32_0 = arith.constant 0 : i32
    %c0_i32_1 = arith.constant 0 : i32
    return %c0_i32, %c0_i32_0 : i32, i32
  }
  func.func @transform_5(%arg0: i32) -> (i32, i32) {
    %c0_i32 = arith.constant 0 : i32
    %c0_i32_0 = arith.constant 0 : i32
    %c0_i32_1 = arith.constant 0 : i32
    return %c0_i32, %c0_i32_0 : i32, i32
  }
  func.func @transform_6(%arg0: i32) -> (i32, i32) {
    %c0_i32 = arith.constant 0 : i32
    %c0_i32_0 = arith.constant 0 : i32
    %c0_i32_1 = arith.constant 0 : i32
    return %c0_i32, %c0_i32_0 : i32, i32
  }
  func.func @transform_7(%arg0: i32) -> (i32, i32) {
    %c0_i32 = arith.constant 0 : i32
    %c0_i32_0 = arith.constant 0 : i32
    %c0_i32_1 = arith.constant 0 : i32
    return %c0_i32, %c0_i32_0 : i32, i32
  }
}

module attributes {stable_mosaic.version = 14 : i64} {
  func.func @_dense_body(%arg0: i32, %arg1: memref<512x26x64xf32, #tpu.memory_space<vmem>>, %arg2: memref<512x64xf32, #tpu.memory_space<vmem>>, %arg3: memref<793x512xf32, #tpu.memory_space<vmem>>, %arg4: memref<1x512xf32, #tpu.memory_space<vmem>>, %arg5: memref<512x256xf32, #tpu.memory_space<vmem>>, %arg6: memref<1x256xf32, #tpu.memory_space<vmem>>, %arg7: memref<256x1xf32, #tpu.memory_space<vmem>>, %arg8: memref<1x1xf32, #tpu.memory_space<vmem>>, %arg9: memref<512x1xf32, #tpu.memory_space<vmem>>) attributes {dimension_semantics = [#tpu.dimension_semantics<arbitrary>], iteration_bounds = array<i64: 8>, scalar_prefetch = 0 : i64, scratch_operands = 0 : i64, tpu.core_type = #tpu.core_type<tc>, window_params = [{transform_indices = @transform_0, window_bounds = array<i64: 512, 26, 64>}, {transform_indices = @transform_1, window_bounds = array<i64: 512, 64>}, {pipeline_mode = #tpu.pipeline_mode<synchronous>, transform_indices = @transform_2, window_bounds = array<i64: 793, 512>}, {pipeline_mode = #tpu.pipeline_mode<synchronous>, transform_indices = @transform_3, window_bounds = array<i64: 1, 512>}, {pipeline_mode = #tpu.pipeline_mode<synchronous>, transform_indices = @transform_4, window_bounds = array<i64: 512, 256>}, {pipeline_mode = #tpu.pipeline_mode<synchronous>, transform_indices = @transform_5, window_bounds = array<i64: 1, 256>}, {pipeline_mode = #tpu.pipeline_mode<synchronous>, transform_indices = @transform_6, window_bounds = array<i64: 256, 1>}, {pipeline_mode = #tpu.pipeline_mode<synchronous>, transform_indices = @transform_7, window_bounds = array<i64: 1, 1>}, {transform_indices = @transform_8, window_bounds = array<i64: 512, 1>}]} {
    %get3A = arith.constant 0 : index
    %get3A_0 = arith.constant 0 : index
    %get3A_1 = vector.load %arg2[%get3A, %get3A_0] : memref<512x64xf32, #tpu.memory_space<vmem>>, vector<512x64xf32>
    %get3A_2 = arith.constant 0 : index
    %get3A_3 = arith.constant 0 : index
    %get3A_4 = arith.constant 0 : index
    %get3A_5 = vector.load %arg1[%get3A_2, %get3A_3, %get3A_4] : memref<512x26x64xf32, #tpu.memory_space<vmem>>, vector<512x26x64xf32>
    %broadcast_in_dim3A = vector.shape_cast %get3A_1 : vector<512x64xf32> to vector<512x1x64xf32>
    %concatenate3A = tpu.concatenate %get3A_5, %broadcast_in_dim3A in 1 : vector<512x26x64xf32>, vector<512x1x64xf32> -> vector<512x27x64xf32>
    %dot_general3A = arith.constant dense<0.000000e+00> : vector<512x27x27xf32>
    %dot_general3A_6 = tpu.matmul %concatenate3A, %concatenate3A, %dot_general3A {dimension_numbers = #tpu.dot_dimension_numbers<[2], [2], [1], [1], [0, 0, 0, 1, 1, 1], [0], [0]>, transpose_lhs_hint = false} : vector<512x27x64xf32>, vector<512x27x64xf32>, vector<512x27x27xf32> -> vector<512x27x27xf32>
    %iota3A = tpu.iota {dimensions = array<i32: 1>} : vector<512x27x27xi32>
    %iota3A_7 = tpu.iota {dimensions = array<i32: 2>} : vector<512x27x27xi32>
    %lt3A = arith.cmpi slt, %iota3A_7, %iota3A : vector<512x27x27xi32>
    %jit3A = arith.constant 0.000000e+00 : f32
    %broadcast_in_dim3A_8 = vector.broadcast %jit3A : f32 to vector<512x27x27xf32>
    %select_n3A = arith.select %lt3A, %dot_general3A_6, %broadcast_in_dim3A_8 : vector<512x27x27xi1>, vector<512x27x27xf32>
    %reshape3A = vector.shape_cast %select_n3A : vector<512x27x27xf32> to vector<512x729xf32>
    %concatenate3A_9 = tpu.concatenate %reshape3A, %get3A_1 in 1 : vector<512x729xf32>, vector<512x64xf32> -> vector<512x793xf32>
    %get3A_10 = arith.constant 0 : index
    %get3A_11 = arith.constant 0 : index
    %get3A_12 = vector.load %arg3[%get3A_10, %get3A_11] : memref<793x512xf32, #tpu.memory_space<vmem>>, vector<793x512xf32>
    %dot_general3A_13 = arith.constant dense<0.000000e+00> : vector<512x512xf32>
    %dot_general3A_14 = tpu.matmul %concatenate3A_9, %get3A_12, %dot_general3A_13 {dimension_numbers = #tpu.dot_dimension_numbers<[1], [0], [0], [1], [0, 0, 1, 1], [], []>, transpose_lhs_hint = false} : vector<512x793xf32>, vector<793x512xf32>, vector<512x512xf32> -> vector<512x512xf32>
    %get3A_15 = arith.constant 0 : index
    %get3A_16 = arith.constant 0 : index
    %get3A_17 = vector.load %arg4[%get3A_15, %get3A_16] : memref<1x512xf32, #tpu.memory_space<vmem>>, vector<1x512xf32>
    %add3A = vector.broadcast %get3A_17 : vector<1x512xf32> to vector<512x512xf32>
    %add3A_18 = arith.addf %dot_general3A_14, %add3A : vector<512x512xf32>
    %max3A = arith.constant 0.000000e+00 : f32
    %max3A_19 = vector.broadcast %max3A : f32 to vector<512x512xf32>
    %max3A_20 = arith.maximumf %add3A_18, %max3A_19 : vector<512x512xf32>
    %get3A_21 = arith.constant 0 : index
    %get3A_22 = arith.constant 0 : index
    %get3A_23 = vector.load %arg5[%get3A_21, %get3A_22] : memref<512x256xf32, #tpu.memory_space<vmem>>, vector<512x256xf32>
    %dot_general3A_24 = arith.constant dense<0.000000e+00> : vector<512x256xf32>
    %dot_general3A_25 = tpu.matmul %max3A_20, %get3A_23, %dot_general3A_24 {dimension_numbers = #tpu.dot_dimension_numbers<[1], [0], [0], [1], [0, 0, 1, 1], [], []>, transpose_lhs_hint = false} : vector<512x512xf32>, vector<512x256xf32>, vector<512x256xf32> -> vector<512x256xf32>
    %get3A_26 = arith.constant 0 : index
    %get3A_27 = arith.constant 0 : index
    %get3A_28 = vector.load %arg6[%get3A_26, %get3A_27] : memref<1x256xf32, #tpu.memory_space<vmem>>, vector<1x256xf32>
    %add3A_29 = vector.broadcast %get3A_28 : vector<1x256xf32> to vector<512x256xf32>
    %add3A_30 = arith.addf %dot_general3A_25, %add3A_29 : vector<512x256xf32>
    %max3A_31 = arith.constant 0.000000e+00 : f32
    %max3A_32 = vector.broadcast %max3A_31 : f32 to vector<512x256xf32>
    %max3A_33 = arith.maximumf %add3A_30, %max3A_32 : vector<512x256xf32>
    %get3A_34 = arith.constant 0 : index
    %get3A_35 = arith.constant 0 : index
    %get3A_36 = vector.load %arg7[%get3A_34, %get3A_35] : memref<256x1xf32, #tpu.memory_space<vmem>>, vector<256x1xf32>
    %dot_general3A_37 = arith.constant dense<0.000000e+00> : vector<512x1xf32>
    %dot_general3A_38 = tpu.matmul %max3A_33, %get3A_36, %dot_general3A_37 {dimension_numbers = #tpu.dot_dimension_numbers<[1], [0], [0], [1], [0, 0, 1, 1], [], []>, transpose_lhs_hint = false} : vector<512x256xf32>, vector<256x1xf32>, vector<512x1xf32> -> vector<512x1xf32>
    %get3A_39 = arith.constant 0 : index
    %get3A_40 = arith.constant 0 : index
    %get3A_41 = vector.load %arg8[%get3A_39, %get3A_40] : memref<1x1xf32, #tpu.memory_space<vmem>>, vector<1x1xf32>
    %add3A_42 = vector.broadcast %get3A_41 : vector<1x1xf32> to vector<512x1xf32>
    %add3A_43 = arith.addf %dot_general3A_38, %add3A_42 : vector<512x1xf32>
    %neg3A = arith.constant 0.000000e+00 : f32
    %neg3A_44 = vector.broadcast %neg3A : f32 to vector<512x1xf32>
    %neg3A_45 = arith.subf %neg3A_44, %add3A_43 : vector<512x1xf32>
    %exp3A = math.exp %neg3A_45 : vector<512x1xf32>
    %add3A_46 = arith.constant 1.000000e+00 : f32
    %add3A_47 = vector.broadcast %add3A_46 : f32 to vector<512x1xf32>
    %add3A_48 = arith.addf %add3A_47, %exp3A : vector<512x1xf32>
    %div3A = arith.constant 1.000000e+00 : f32
    %div3A_49 = vector.broadcast %div3A : f32 to vector<512x1xf32>
    %div3A_50 = arith.divf %div3A_49, %add3A_48 : vector<512x1xf32>
    %swap3A = arith.constant 0 : index
    %swap3A_51 = arith.constant 0 : index
    %swap3A_52 = vector.load %arg9[%swap3A, %swap3A_51] : memref<512x1xf32, #tpu.memory_space<vmem>>, vector<512x1xf32>
    tpu.vector_store %arg9[%swap3A, %swap3A_51], %div3A_50 {strides = array<i32>} : memref<512x1xf32, #tpu.memory_space<vmem>>, vector<512x1xf32>,
    return
  }
  func.func @transform_0(%arg0: i32) -> (i32, i32, i32) {
    %c0_i32 = arith.constant 0 : i32
    %c0_i32_0 = arith.constant 0 : i32
    %c0_i32_1 = arith.constant 0 : i32
    return %arg0, %c0_i32, %c0_i32_0 : i32, i32, i32
  }
  func.func @transform_1(%arg0: i32) -> (i32, i32) {
    %c0_i32 = arith.constant 0 : i32
    %c0_i32_0 = arith.constant 0 : i32
    return %arg0, %c0_i32 : i32, i32
  }
  func.func @transform_2(%arg0: i32) -> (i32, i32) {
    %c0_i32 = arith.constant 0 : i32
    %c0_i32_0 = arith.constant 0 : i32
    %c0_i32_1 = arith.constant 0 : i32
    return %c0_i32, %c0_i32_0 : i32, i32
  }
  func.func @transform_3(%arg0: i32) -> (i32, i32) {
    %c0_i32 = arith.constant 0 : i32
    %c0_i32_0 = arith.constant 0 : i32
    %c0_i32_1 = arith.constant 0 : i32
    return %c0_i32, %c0_i32_0 : i32, i32
  }
  func.func @transform_4(%arg0: i32) -> (i32, i32) {
    %c0_i32 = arith.constant 0 : i32
    %c0_i32_0 = arith.constant 0 : i32
    %c0_i32_1 = arith.constant 0 : i32
    return %c0_i32, %c0_i32_0 : i32, i32
  }
  func.func @transform_5(%arg0: i32) -> (i32, i32) {
    %c0_i32 = arith.constant 0 : i32
    %c0_i32_0 = arith.constant 0 : i32
    %c0_i32_1 = arith.constant 0 : i32
    return %c0_i32, %c0_i32_0 : i32, i32
  }
  func.func @transform_6(%arg0: i32) -> (i32, i32) {
    %c0_i32 = arith.constant 0 : i32
    %c0_i32_0 = arith.constant 0 : i32
    %c0_i32_1 = arith.constant 0 : i32
    return %c0_i32, %c0_i32_0 : i32, i32
  }
  func.func @transform_7(%arg0: i32) -> (i32, i32) {
    %c0_i32 = arith.constant 0 : i32
    %c0_i32_0 = arith.constant 0 : i32
    %c0_i32_1 = arith.constant 0 : i32
    return %c0_i32, %c0_i32_0 : i32, i32
  }
  func.func @transform_8(%arg0: i32) -> (i32, i32) {
    %c0_i32 = arith.constant 0 : i32
    %c0_i32_0 = arith.constant 0 : i32
    return %arg0, %c0_i32 : i32, i32
  }
}

</mosaic_0001>

<sc_bundles>
// kernel: kernel.5.cloned.1.call-start
scs
__scs_entry_jumppad:
0x0: {  	(pc) =	sbr.rel $0x88, $3  }
0x1: {  	(tag) =	ssettag $0x0;
	lr =	simm.s32 $0x1  }
0x2: {  	[smem:$0x3F92] =	sst lr;
	_ =	strace $0xD0000000  }
0x3: {  	_ = 	snop  }
0x4: {  	_ = 	snop  }
0x5: {  	_ = 	snop  }
0x6: {  	_ = 	snop  }
0x7: {  	_ = 	snop  }
__scs_overlays_trampoline_lowered:
0x8: {  	[smem:$0x3FA1] =	sst s0  }
0x9: {  	[smem:$0x3FA2] =	sst s1  }
0xa: {  	[smem:$0x3FA3] =	sst s2  }
0xb: {  	[smem:$0x3FA4] =	sst s3  }
0xc: {  	[smem:$0x3FA5] =	sst s4  }
0xd: {  	[smem:$0x3FA6] =	sst s5  }
0xe: {  	[smem:$0x3FA7] =	sst s6  }
0xf: {  	[smem:$0x3FA8] =	sst s7  }
0x10: {  	[smem:$0x3FA9] =	sst s8  }
0x11: {  	[smem:$0x3FAA] =	sst s9;
	s0 =	simm.s32 @!p0 $0x0  }
0x12: {  	s1 =	sld [smem:$0x3F90];
	s0 =	simm.s32 @p0 $0x1  }
0x13: {  	[smem:$0x3FAB] =	sst s0;
	s0 =	simm.s32 @!p1 $0x0  }
0x14: {  	s2 =	sld [smem:$0x3F8F];
	s0 =	simm.s32 @p1 $0x1  }
0x15: {  	[smem:$0x3FAC] =	sst s0;
	s0 =	simm.s32 @!p2 $0x0  }
0x16: {  	s3 =	sld [smem:$0x3FDB];
	s0 =	simm.s32 @p2 $0x1  }
0x17: {  	s4 =	simm.s32 $0x1BF5;
	[smem:$0x3FAE] =	sst s0  }
0x18: {  	s0 =	sld [smem:$0x3F91];
	_ =	swait.ge [sflag:s4], $0x0  }
0x19: {  	s7 =	sld [smem:$0x3F92]  }
0x1a: {  	s8 =	sadd.s32 $0xFFFFE003, lr  }
0x1b: {  	s9 =	sadd.s32 $0xFFFFFEF7, lr;
	s5 =	simm.s32 $0xFFFFFFFF;
	p2 =	slt.u32 s8, $0xFFFFF086  }
0x1c: {  	p1 =	slt.u32 s9, $0xF7A;
	s5 =	simm.s32 @!p2 $0x0  }
0x1d: {  	s5 =	simm.s32 @p1 $0x1;
	p0 =	seq.s32 s7, s2  }
0x1e: {  	s7 =	smul.u32 @!p0 $0xF7A, s2;
	p2 =	seq.s32 @!p0 s5, $0x0  }
0x1f: {  	s9 =	smul.u32 $0xF7A, s1;
	s8 =	simm.s32 @!p0 $0x1BF5;
	p2 =	por !p2, p0  }
0x20: {  	[sflag:s8] =	ssyncset.s32 @!p0 $0xFFFFF086;
	s6 =	sadd.s32 @!p0 s3, s7;
	s7 =	simm.s32 @!p0 $0x108  }
0x21: {  	s3 =	sadd.s32 s3, s9;
	s6 =	sadd.s32 @!p0 $0x88, s6;
	s7 =	simm.s32 @p2 $0x1082  }
0x22: {  	[simem:s7], [sflag:s8] =	dma.local @!p0 [hbm:s6], $0xF7A  }
0x23: {  	s9 =	sor.u32 $0xD0000000, s2;
	s6 =	simm.s32 $0x108;
	_ =	swait.ge @!p0 [sflag:s8], $0x0  }
0x24: {  	s3 =	sadd.s32 $0x88, s3;
	s6 =	simm.s32 @!p1 $0x1082;
	[sflag:s4] =	ssyncset.s32 $0xFFFFF086  }
0x25: {  	[simem:s6], [sflag:s4] =	dma.local [hbm:s3], $0xF7A  }
0x26: {  	[smem:$0x3F92] =	sst s1;
	(tag) =	ssettag s2;
	_ =	strace s9  }
0x27: {  	s1 =	sld [smem:$0x3FA2]  }
0x28: {  	s2 =	sld [smem:$0x3FA3]  }
0x29: {  	s4 =	sld [smem:$0x3FA5]  }
0x2a: {  	p0 =	seq.s32 s5, $0x0;
	s5 =	sld [smem:$0x3FA6]  }
0x2b: {  	s6 =	sld [smem:$0x3FA7]  }
0x2c: {  	s7 =	sld [smem:$0x3FA8]  }
0x2d: {  	s3 =	simm.s32 $0x108;
	s8 =	sld [smem:$0x3FA9]  }
0x2e: {  	s3 =	simm.s32 @!p0 $0x1082;
	s9 =	sld [smem:$0x3FAA]  }
0x2f: {  	lr =	sadd.s32 s0, s3;
	s0 =	sld [smem:$0x3FA1]  }
0x30: {  	s3 =	sld [smem:$0x3FA4]  }
0x31: {  	[smem:$0x3FAD] =	sst s10  }
0x32: {  	s10 =	sld [smem:$0x3FAB];
	_ =	sdelay $0x3  }
0x33: {  	p0 =	seq.s32 s10, $0x1;
	s10 =	sld [smem:$0x3FAD];
	_ =	sdelay $0x3  }
0x34: {  	[smem:$0x3FAD] =	sst s10  }
0x35: {  	s10 =	sld [smem:$0x3FAC];
	_ =	sdelay $0x3  }
0x36: {  	p1 =	seq.s32 s10, $0x1;
	s10 =	sld [smem:$0x3FAD];
	_ =	sdelay $0x3  }
0x37: {  	[smem:$0x3FAD] =	sst s10  }
0x38: {  	s10 =	sld [smem:$0x3FAE]  }
0x39: {  	_ = 	snop;
	(pc) =	sbr.ind lr, $3  }
0x3a: {  	_ = 	snop  }
0x3b: {  	_ = 	snop  }
0x3c: {  	p2 =	seq.s32 s10, $0x1;
	s10 =	sld [smem:$0x3FAD]  }
0x3d: {  	_ =	shalt  }
0x3e: {  	_ =	shalt  }
0x3f: {  	_ =	shalt  }
0x40: {  	_ =	shalt  }
0x41: {  	_ =	shalt  }
0x42: {  	_ =	shalt  }
0x43: {  	_ =	shalt  }
0x44: {  	_ =	shalt  }
0x45: {  	_ =	shalt  }
0x46: {  	_ =	shalt  }
0x47: {  	_ =	shalt  }
0x48: {  	_ =	shalt  }
0x49: {  	_ =	shalt  }
0x4a: {  	_ =	shalt  }
0x4b: {  	_ =	shalt  }
0x4c: {  	_ =	shalt  }
0x4d: {  	_ =	shalt  }
0x4e: {  	_ =	shalt  }
0x4f: {  	_ =	shalt  }
0x50: {  	_ =	shalt  }
0x51: {  	_ =	shalt  }
0x52: {  	_ =	shalt  }
0x53: {  	_ =	shalt  }
0x54: {  	_ =	shalt  }
0x55: {  	_ =	shalt  }
0x56: {  	_ =	shalt  }
0x57: {  	_ =	shalt  }
0x58: {  	_ =	shalt  }
0x59: {  	_ =	shalt  }
0x5a: {  	_ =	shalt  }
0x5b: {  	_ =	shalt  }
0x5c: {  	_ =	shalt  }
0x5d: {  	_ =	shalt  }
0x5e: {  	_ =	shalt  }
0x5f: {  	_ =	shalt  }
0x60: {  	_ =	shalt  }
0x61: {  	_ =	shalt  }
0x62: {  	_ =	shalt  }
0x63: {  	_ =	shalt  }
0x64: {  	_ =	shalt  }
0x65: {  	_ =	shalt  }
0x66: {  	_ =	shalt  }
0x67: {  	_ =	shalt  }
0x68: {  	_ =	shalt  }
0x69: {  	_ =	shalt  }
0x6a: {  	_ =	shalt  }
0x6b: {  	_ =	shalt  }
0x6c: {  	_ =	shalt  }
0x6d: {  	_ =	shalt  }
0x6e: {  	_ =	shalt  }
0x6f: {  	_ =	shalt  }
0x70: {  	_ =	shalt  }
0x71: {  	_ =	shalt  }
0x72: {  	_ =	shalt  }
0x73: {  	_ =	shalt  }
0x74: {  	_ =	shalt  }
0x75: {  	_ =	shalt  }
0x76: {  	_ =	shalt  }
0x77: {  	_ =	shalt  }
0x78: {  	_ =	shalt  }
0x79: {  	_ =	shalt  }
0x7a: {  	_ =	shalt  }
0x7b: {  	_ =	shalt  }
0x7c: {  	_ =	shalt  }
0x7d: {  	_ =	shalt  }
0x7e: {  	_ =	shalt  }
0x7f: {  	_ =	shalt  }
0x80: {  	_ =	shalt  }
0x81: {  	_ =	shalt  }
0x82: {  	_ =	shalt  }
0x83: {  	_ =	shalt  }
0x84: {  	_ =	shalt  }
0x85: {  	_ =	shalt  }
0x86: {  	_ =	shalt  }
0x87: {  	_ =	shalt  }
.Lfunc_end0:
.L_simem_size_0:
called_computation_lowered:
.L_overlay_start_0:
0x88: {  	s2 =	sld [smem:$0x3FD9]  }
0x89: {  	s3 =	sld [smem:$0x3FFE];
	_ =	sdelay $0x1  }
0x8a: {  	s1 =	srdreg.scid  }
0x8b: {  	s0 =	sand.u32 $0x1, s1  }
0x8c: {  	s16 =	sshll.u32 s0, $0xA;
	s2 =	sadd.s32 s3, s2  }
0x8d: {  	s2 =	sadd.s32 s2, s16  }
0x8e: {  	[smem:$0x3FB9] =	sst s2  }
0x8f: {  	_ = 	snop  }
0x90: {  	(tm) =	ssettm $0x1  }
0x91: {  	s17 =	sld [smem:$0x3FFB];
	_ =	sdelay $0x3  }
0x92: {  	_ =	strace s17  }
0x93: {  	s2 =	sld [smem:$0x3FFC];
	_ =	sdelay $0x3  }
0x94: {  	_ =	strace s2  }
0x95: {  	s2 =	sld [smem:$0x3FFD];
	_ =	sdelay $0x3  }
0x96: {  	_ =	strace s2  }
0x97: {  	_ =	strace $0x8FFFFFFF  }
0x98: {  	s18 =	sld [smem:$0x3FDB];
	_ =	sdelay $0x1  }
0x99: {  	s19 =	simm.s32 $_scs_section_size  }
0x9a: {  	s4 =	simm.s32 $_size__tile_overlayer_lowered;
	s5 =	simm.s32 $_tile_overlayer_lowered  }
0x9b: {  	s22 =	simm.s32 $0x1BFF;
	s21 =	sshll.u32 s5, $0x1;
	s2 =	sadd.s32 s19, s18  }
0x9c: {  	s6 =	simm.s32 $0x0;
	s20 =	sshll.u32 s4, $0x1;
	s4 =	sadd.s32 s21, s2  }
0x9d: {  	[timem:s6], [sflag:s22] =	dma.local [hbm:s4], s20  }
0x9e: {  	_ =	swait.ge [sflag:s22], s20  }
0x9f: {  	s3 =	ssub.s32 $0x0, s20;
	[sflag:s22] =	ssyncset.done $0x0  }
0xa0: {  	[sflag:s22] =	ssyncadd.s32 s3;
	_ =	sdelay $0x1  }
0xa1: {  	s23 =	simm.s32 $0x1B8B  }
0xa2: {  	_ =	swait.ge [sflag:s23], $0x1  }
0xa3: {  	[sflag:s23] =	ssyncset.done $0x0  }
0xa4: {  	s25 =	simm.s32 $0x1B8E;
	s24 =	sld [smem:$0x3FFE];
	[sflag:s23] =	ssyncadd.s32 $0xFFFFFFFF  }
0xa5: {  	s26 =	simm.s32 $execute0_lowered;
	[smem:$0x3FD2] =	sst s25  }
0xa6: {  	s4 =	sshll.u32 s26, $0x1;
	_ =	strace $0x80000046;
	[dreg:$0x1] =	wrdreg $0xFFFFFFFF  }
0xa7: {  	s28 =	simm.s32 $_size_execute0_lowered;
	s2 =	sadd.s32 s2, s4;
	[dreg:$0x0] =	wrdreg $0x0  }
0xa8: {  	s4 =	sshll.u32 s28, $0x1;
	[dreg:$0x2] =	wrdreg s2  }
0xa9: {  	[dreg:$0x3] =	wrdreg s4  }
0xaa: {  	[dreg:$0x4] =	wrdreg $0xC0  }
0xab: {  	_ =	task [dreg:s6], $0x5FFFF  }
0xac: {  	[dreg:$0x1] =	wrdreg $0xFFFFFFFF  }
0xad: {  	[dreg:$0x0] =	wrdreg $0x60  }
0xae: {  	[dreg:$0x2] =	wrdreg s24  }
0xaf: {  	[dreg:$0x3] =	wrdreg $0x9  }
0xb0: {  	_ =	task.clear_ibuf [dreg:s6], $0x4FFFF;
	_ =	strace $0x90000046  }
0xb1: {  	s29 =	simm.s32 $0x9;
	_ =	strace $0x80000048  }
0xb2: {  	_ =	swait.ge [sflag:s29], $0x1  }
0xb3: {  	[sflag:s29] =	ssyncadd.s32 $0xFFFFFFFF  }
0xb4: {  	_ =	strace $0x90000048  }
0xb5: {  	_ =	sfence  }
0xb6: {  	s30 =	sld [smem:$0x0];
	_ =	sdelay $0x2  }
0xb7: {  	s31 =	sshll.u32 s1, $0xD;
	s1 =	sshrl.u32 s1, $0x2  }
0xb8: {  	s3 =	sand.u32 $0x4000, s31;
	s1 =	sadd.s32 s1, s30  }
0xb9: {  	s0 =	sor.u32 s3, s0;
	s1 =	sshll.u32 s1, $0x11  }
0xba: {  	s0 =	sor.u32 s1, s0  }
0xbb: {  	s0 =	sadd.s32 $0x8F2B, s0  }
0xbc: {  	[sflag:s0] =	ssyncadd.remote.s32 $0x1  }
0xbd: {  	_ =	sfence.sel $0xFFFF  }
0xbe: {  	[dreg:$0x0] =	wrdreg $0xFFFFFFFF;
	(pc) =	sbr.abs _section_cstart, $3  }
0xbf: {  	[dreg:$0x1] =	wrdreg $0xFFFFFFFF  }
0xc0: {  	_ =	task.clear_ibuf [dreg:s6], $0x2FFFF;
	_ =	strace $0x9FFFFFFF  }
0xc1: {  	(tm) =	ssettm $0x7FFFFFFF  }
tec
execute0_lowered:
.L_overlay_start_1:
0x0: {  	(tag) =	ssettag $0x1  }
0x1: {  	s1 =	srdreg.scid;
	s0 =	stileid.u32  }
0x2: {  	s10 =	sand.u32 $0x1, s1;
	s26 =	sshll.u32 s0, $0x1  }
0x3: {  	s8 =	sor.u32 s10, s26  }
0x4: {  	s9 =	rddreg [dreg:$0x0];
	s11 =	smul.u32 $0xD00, s8  }
0x5: {  	s2 =	simm.s32 $0x0;
	s1 =	rddreg [dreg:$0x1]  }
0x6: {  	[smem:$0x7FF] =	sst s2;
	s12 =	sadd.s32 $0x1A00, s9;
	s3 =	sshrl.u32 s11, $0x3  }
0x7: {  	_ =	strace $0x80000047;
	s4 =	sadd.s32 s12, s3;
	s3 =	simm.s32 $0x2  }
0x8: {  	[tilespmem:s2], [sflag:$0x2] =	stream.linear.gather [hbm4b:s4+s2], $0x680, $0x38;
	[tilespmem:$0x1A680] =	vst v63  }
0x9: {  	_ =	swait.ge [sflag:s3], $0x680  }
0xa: {  	s6 =	simm.s32 $0x680;
	[sflag:s3] =	ssyncset.done $0x0  }
0xb: {  	s7 =	simm.s32 $0x1;
	s5 =	sadd.s32 $0x188400, s9;
	[sflag:s3] =	ssyncadd.s32 $0xFFFFF980  }
0xc: {  	[tilespmem:s6], [sflag:$0x1] =	stream.indirect.gather [hbm4b:s5+s6], $0x40, s2, s6, $0xb8;
	[tilespmem:$0x1A680] =	vst v63  }
0xd: {  	s8 =	smul.u32 $0x6800, s8;
	_ =	swait.ge [sflag:s7], $0x1A000  }
0xe: {  	s13 =	sadd.s32 $0x4E00, s9;
	[sflag:s7] =	ssyncset.done $0x0  }
0xf: {  	s8 =	sadd.s32 s13, s8;
	[sflag:s7] =	ssyncadd.s32 $0xFFFE6000  }
0x10: {  	[hbm4b:s8+s2] =	stream.linear.scatter [tilespmem:s6], [sflag:$0x2], $0x1A000, $0x38;
	[tilespmem:$0x1A680] =	vst v63  }
0x11: {  	s11 =	sadd.s32 $0x680, s11;
	_ =	swait.ge [sflag:s3], $0x1A000  }
0x12: {  	s28 =	sshrl.u32 s11, $0x3;
	[sflag:s3] =	ssyncset.done $0x0  }
0x13: {  	s10 =	ssub.s32 $0x2, s10;
	s9 =	sadd.s32 s12, s28;
	[sflag:s3] =	ssyncadd.s32 $0xFFFE6000  }
0x14: {  	[tilespmem:s2], [sflag:$0x2] =	stream.linear.gather [hbm4b:s9+s2], $0x680, $0x38;
	[tilespmem:$0x1A680] =	vst v63  }
0x15: {  	s29 =	sshrl.u32 s10, $0x1;
	_ =	swait.ge [sflag:s3], $0x680  }
0x16: {  	s12 =	ssub.s32 s10, s29;
	[sflag:s3] =	ssyncset.done $0x0  }
0x17: {  	s31 =	smax.u32 s12, $0x1;
	[sflag:s3] =	ssyncadd.s32 $0xFFFFF980  }
0x18: {  	[tilespmem:s6], [sflag:$0x1] =	stream.indirect.gather [hbm4b:s5+s6], $0x40, s2, s6, $0xb8;
	[tilespmem:$0x1A680] =	vst v63  }
0x19: {  	p0 =	sne.s32 s31, $0x1;
	_ =	swait.ge [sflag:s7], $0x1A000  }
.Ltmp0:
0x1a: {  	s30 =	sshll.u32 s11, $0x3;
	[sflag:s7] =	ssyncset.done $0x0;
	(pc) =	sbr.rel @!p0 .LBB2_2-.Ltmp0, $4  }
0x1b: {  	s10 =	sadd.s32 s13, s30;
	[sflag:s7] =	ssyncadd.s32 $0xFFFE6000  }
0x1c: {  	[hbm4b:s10+s2] =	stream.linear.scatter [tilespmem:s6], [sflag:$0x2], $0x1A000, $0x38;
	[tilespmem:$0x1A680] =	vst v63  }
0x1d: {  	_ =	swait.ge [sflag:s3], $0x1A000  }
0x1e: {  	s11 =	sadd.s32 $0xFFFFFFFF, s31;
	[sflag:s3] =	ssyncset.done $0x0  }
.LBB2_1:
0x1f: {  	p0 =	sne.s32 s11, $0x1;
	s11 =	sadd.s32 $0xFFFFFFFF, s11;
	[sflag:s3] =	ssyncadd.s32 $0xFFFE6000  }
0x20: {  	[tilespmem:s2], [sflag:$0x2] =	stream.linear.gather [hbm4b:s4+s2], $0x680, $0x38;
	[tilespmem:$0x1A680] =	vst v63  }
0x21: {  	_ =	swait.ge [sflag:s3], $0x680  }
0x22: {  	[sflag:s3] =	ssyncset.done $0x0  }
0x23: {  	[sflag:s3] =	ssyncadd.s32 $0xFFFFF980  }
0x24: {  	[tilespmem:s6], [sflag:$0x1] =	stream.indirect.gather [hbm4b:s5+s6], $0x40, s2, s6, $0xb8;
	[tilespmem:$0x1A680] =	vst v63  }
0x25: {  	_ =	swait.ge [sflag:s7], $0x1A000  }
0x26: {  	[sflag:s7] =	ssyncset.done $0x0  }
0x27: {  	[sflag:s7] =	ssyncadd.s32 $0xFFFE6000  }
0x28: {  	[hbm4b:s8+s2] =	stream.linear.scatter [tilespmem:s6], [sflag:$0x2], $0x1A000, $0x38;
	[tilespmem:$0x1A680] =	vst v63  }
0x29: {  	_ =	swait.ge [sflag:s3], $0x1A000  }
0x2a: {  	[sflag:s3] =	ssyncset.done $0x0  }
0x2b: {  	[sflag:s3] =	ssyncadd.s32 $0xFFFE6000  }
0x2c: {  	[tilespmem:s2], [sflag:$0x2] =	stream.linear.gather [hbm4b:s9+s2], $0x680, $0x38;
	[tilespmem:$0x1A680] =	vst v63  }
0x2d: {  	_ =	swait.ge [sflag:s3], $0x680  }
0x2e: {  	[sflag:s3] =	ssyncset.done $0x0  }
0x2f: {  	[sflag:s3] =	ssyncadd.s32 $0xFFFFF980  }
0x30: {  	[tilespmem:s6], [sflag:$0x1] =	stream.indirect.gather [hbm4b:s5+s6], $0x40, s2, s6, $0xb8;
	[tilespmem:$0x1A680] =	vst v63  }
0x31: {  	_ =	swait.ge [sflag:s7], $0x1A000  }
.Ltmp1:
0x32: {  	[sflag:s7] =	ssyncset.done $0x0;
	(pc) =	sbr.rel @p0 .LBB2_1-.Ltmp1, $4  }
0x33: {  	[sflag:s7] =	ssyncadd.s32 $0xFFFE6000  }
0x34: {  	[hbm4b:s10+s2] =	stream.linear.scatter [tilespmem:s6], [sflag:$0x2], $0x1A000, $0x38;
	[tilespmem:$0x1A680] =	vst v63  }
0x35: {  	_ =	swait.ge [sflag:s3], $0x1A000  }
0x36: {  	[sflag:s3] =	ssyncset.done $0x0  }
.LBB2_2:
0x37: {  	[sflag:s3] =	ssyncadd.s32 $0xFFFE6000  }
0x38: {  	_ =	sfence.sel $0x180000  }
0x39: {  	[bflag:$0x0] =	sbarrier.arrive $0xFFFF  }
0x3a: {  	p0 =	sne.s32 s0, $0x0;
	_ =	strace $0x90000047  }
0x3b: {  	s0 =	sadd.s32 @!p0 $0x100000, s1;
	[bflag:$0x2] =	sbarrier.arrive $0xFFFF  }
0x3c: {  	[sflag:s0] =	ssyncadd.tile.s32 @!p0 $0x1;
	_ =	shalt  }
.Lfunc_end2:
_tile_overlayer_lowered:
.L_overlay_start_2:
0x3d: {  	(tag) =	ssettag $0x2  }
0x3e: {  	s0 =	rddreg [dreg:$0x0];
	s2 =	stileid.u32  }
0x3f: {  	s1 =	rddreg [dreg:$0x1];
	p0 =	sne.s32 s2, $0x0  }
0x40: {  	s3 =	rddreg [dreg:$0x2];
	[bflag:$0x3] =	sbarrier.arrive $0xFFFF;
	s2 =	simm.s32 @!p0 $0x1C02  }
0x41: {  	[timem:s3], [sflag:s2] =	dma.local @!p0 [hbm:s0], s1  }
0x42: {  	s0 =	simm.s32 @!p0 $0x2  }
0x43: {  	_ =	swait.ge @!p0 [sflag:s0], s1  }
0x44: {  	s1 =	ssub.s32 @!p0 $0x0, s1;
	[sflag:s0] =	ssyncset.done @!p0 $0x0  }
0x45: {  	[sflag:s0] =	ssyncadd.s32 @!p0 s1  }
0x46: {  	[bflag:$0x3] =	sbarrier.arrive $0xFFFF  }
0x47: {  	_ =	shalt  }

</sc_bundles>
